<compile_context>
chip_gen: v7x
topology: tpu7x:2x2x1
jax: 0.10.2.dev20260603
libtpu: 0.0.44.dev20260713+nightly
codegen_flags: <defaults>
</compile_context>

<pallas_src>
import functools

import jax
import jax.numpy as jnp
from jax import lax
from jax.experimental import pallas as pl
from jax.experimental.pallas import tpu as pltpu
from jax.experimental.pallas import tpu_sc as plsc

VOCAB = 100000
D = 1024
B = 4
S = 4096
EPS = 1e-5
SCALE = 32.0

L = 16
NC = 2
NS = 16
NW = NC * NS
S_PER_W = S // NW
CH = 32
NCHUNK = S_PER_W // CH
NSLICE = D // L
U = 4

_INV_D = 1.0 / D


def _layernorm_row(rows_v, pos_v, wv, bv, r):

    def p1(jj, carry):
        acc, acc2 = carry
        for u in range(U):
            sl = pl.ds((jj * U + u) * L, L)
            x = rows_v[r, sl] * SCALE + pos_v[r, sl]
            rows_v[r, sl] = x
            acc = acc + x
            acc2 = acc2 + x * x
        return acc, acc2

    zero = jnp.zeros((L,), jnp.float32)
    acc, acc2 = lax.fori_loop(0, NSLICE // U, p1, (zero, zero))

    mean = jnp.sum(acc) * _INV_D
    var = jnp.sum(acc2) * _INV_D - mean * mean

    vb = jnp.full((L,), var + EPS, jnp.float32)
    ib = plsc.bitcast(vb, jnp.int32)
    y = plsc.bitcast(jnp.int32(0x5F3759DF) - (ib >> 1), jnp.float32)
    for _ in range(3):
        y = y * (1.5 - 0.5 * vb * y * y)
    inv = y
    mean_v = jnp.full((L,), mean, jnp.float32)

    def p2(jj, _):
        for u in range(U):
            sl = pl.ds((jj * U + u) * L, L)
            x = rows_v[r, sl]
            rows_v[r, sl] = (x - mean_v) * inv * wv[sl] + bv[sl]
        return 0

    lax.fori_loop(0, NSLICE // U, p2, 0)


@functools.partial(
    pl.kernel,
    mesh=plsc.VectorSubcoreMesh(core_axis_name="c", subcore_axis_name="s"),
    out_type=jax.ShapeDtypeStruct((B * S, D), jnp.float32),
    compiler_params=pltpu.CompilerParams(needs_layout_passes=False),
    scratch_types=[
        pltpu.VMEM((CH,), jnp.int32),
        pltpu.VMEM((CH, D), jnp.float32),
        pltpu.VMEM((CH, D), jnp.float32),
        pltpu.VMEM((D,), jnp.float32),
        pltpu.VMEM((D,), jnp.float32),
        pltpu.SemaphoreType.DMA,
    ],
)
def _emb_frontend(seqs_hbm, table_hbm, pos_hbm, w_hbm, b_hbm, out_hbm,
                  idx_v, pos_v, rows_v, wv, bv, sem):
    wid = lax.axis_index("s") * NC + lax.axis_index("c")
    s_base = wid * S_PER_W
    pltpu.sync_copy(w_hbm, wv)
    pltpu.sync_copy(b_hbm, bv)

    def chunk_body(c, _):
        s0 = s_base + c * CH
        pltpu.sync_copy(pos_hbm.at[pl.ds(s0, CH)], pos_v)

        def batch_body(b, _):
            row0 = b * S + s0
            pltpu.sync_copy(seqs_hbm.at[pl.ds(row0, CH)], idx_v)
            pltpu.async_copy(table_hbm.at[idx_v], rows_v, sem).wait()

            def row_body(r, _):
                _layernorm_row(rows_v, pos_v, wv, bv, r)
                return 0

            lax.fori_loop(0, CH, row_body, 0)
            pltpu.sync_copy(rows_v, out_hbm.at[pl.ds(row0, CH)])
            return 0

        lax.fori_loop(0, B, batch_body, 0)
        return 0

    lax.fori_loop(0, NCHUNK, chunk_body, 0)


def kernel(seqs, padding_mask, table, ln_weight, ln_bias, pos_enc):
    out = _emb_frontend(seqs.reshape(B * S), table, pos_enc, ln_weight,
                        ln_bias)
    return out.reshape(B, S, D), padding_mask

# --- scband reference (transcript-rebuilt; emitter-appended) ---
"""Pipeline reference for scband-transformer-embedding-frontend-58746562675062 (READ-ONLY COPY).

The authoritative reference and input builder live on the scoring server;
editing this copy changes nothing except your own understanding.
"""

import jax, jax.numpy as jnp
import numpy as np
import math

VOCAB = 100000
D = 1024
B = 4
S = 4096
EPS = 1e-5


def _sinusoidal_encoding(max_len, dim):
    pos = np.arange(max_len, dtype=np.float64)[:, None]
    i = np.arange(dim // 2, dtype=np.float64)[None, :]
    angle = pos / np.power(10000.0, (2.0 * i) / dim)
    enc = np.zeros((max_len, dim), dtype=np.float32)
    enc[:, 0::2] = np.sin(angle)
    enc[:, 1::2] = np.cos(angle)
    return jnp.asarray(enc)


def setup_inputs(seed: int = 0) -> dict:
    key = jax.random.key(seed)
    k1, k2, k3 = jax.random.split(key, 3)
    seqs = jax.random.randint(k1, (B, S), 0, VOCAB, dtype=jnp.int32)
    padding_mask = jnp.ones((B, S), dtype=jnp.bool_)
    table = jax.random.normal(k2, (VOCAB, D), dtype=jnp.float32) * 0.02
    ln_weight = jnp.ones((D,), dtype=jnp.float32)
    ln_bias = jnp.zeros((D,), dtype=jnp.float32)
    pos_enc = _sinusoidal_encoding(S, D)
    return {"seqs": seqs, "padding_mask": padding_mask, "table": table,
            "ln_weight": ln_weight, "ln_bias": ln_bias, "pos_enc": pos_enc}


def reference(seqs, padding_mask, table, ln_weight, ln_bias, pos_enc):
    # embedding lookup (gather)
    embeds = jnp.take(table, seqs, axis=0)  # [B, S, D]
    # scale by sqrt(model_dim)
    embeds = embeds * math.sqrt(D)
    # sinusoidal position encoding (additive)
    embeds = embeds + pos_enc[None, :S, :]
    # layer norm
    mean = jnp.mean(embeds, axis=-1, keepdims=True)
    var = jnp.var(embeds, axis=-1, keepdims=True)
    embeds = (embeds - mean) / jnp.sqrt(var + EPS)
    embeds = embeds * ln_weight + ln_bias
    # dropout_p = 0.0 -> identity
    return (embeds, padding_mask)

if __name__ == "__main__":
    import jax
    _d = setup_inputs()
    print(jax.jit(kernel)(*tuple(_d.values())))

</pallas_src>

<mosaic_0001>
#map = affine_map<(d0, d1) -> (0)>
#map1 = affine_map<(d0, d1) -> (0, 0)>
module attributes {stable_mosaic.version = 14 : i64} {
  func.func @_emb_frontend(%arg0: i32, %arg1: i32, %arg2: memref<16384xi32, #tpu.memory_space<hbm>>, %arg3: memref<100000x1024xf32, #tpu.memory_space<hbm>>, %arg4: memref<4096x1024xf32, #tpu.memory_space<hbm>>, %arg5: memref<1024xf32, #tpu.memory_space<hbm>>, %arg6: memref<1024xf32, #tpu.memory_space<hbm>>, %arg7: memref<16384x1024xf32, #tpu.memory_space<hbm>>, %arg8: memref<32xi32, #tpu.memory_space<vmem>>, %arg9: memref<32x1024xf32, #tpu.memory_space<vmem>>, %arg10: memref<32x1024xf32, #tpu.memory_space<vmem>>, %arg11: memref<1024xf32, #tpu.memory_space<vmem>>, %arg12: memref<1024xf32, #tpu.memory_space<vmem>>, %arg13: memref<!tpu.dma_semaphore, #tpu.memory_space<semaphore_mem>>) attributes {dimension_semantics = [#tpu.dimension_semantics<core_parallel>, #tpu.dimension_semantics<subcore_parallel>], iteration_bounds = array<i64: 2, 16>, scalar_prefetch = 0 : i64, scratch_operands = 6 : i64, tpu.core_type = #tpu.core_type<sc_vector_subcore>, window_params = [{transform_indices = #map}, {transform_indices = #map1}, {transform_indices = #map1}, {transform_indices = #map}, {transform_indices = #map}, {transform_indices = #map1}]} {
    %mul3A = arith.constant 2 : i32
    %mul3A_0 = arith.muli %arg1, %mul3A : i32
    %add3A = arith.addi %mul3A_0, %arg0 : i32
    %mul3A_1 = arith.constant 128 : i32
    %mul3A_2 = arith.muli %add3A, %mul3A_1 : i32
    "tpu.region"() ({
      %run_scoped3A = tpu.sem_alloc : memref<!tpu.dma_semaphore, #tpu.memory_space<semaphore_mem>>
      tpu.enqueue_dma source(%arg5 : memref<1024xf32, #tpu.memory_space<hbm>>) target(%arg11 : memref<1024xf32, #tpu.memory_space<vmem>>) target_semaphore(%run_scoped3A : memref<!tpu.dma_semaphore, #tpu.memory_space<semaphore_mem>>)
      tpu.wait_dma2 semaphore(%run_scoped3A : memref<!tpu.dma_semaphore, #tpu.memory_space<semaphore_mem>>) src(%arg5 : memref<1024xf32, #tpu.memory_space<hbm>>) dst(%arg11 : memref<1024xf32, #tpu.memory_space<vmem>>)
      tpu.yield
    }) : () -> ()
    "tpu.region"() ({
      %run_scoped3A = tpu.sem_alloc : memref<!tpu.dma_semaphore, #tpu.memory_space<semaphore_mem>>
      tpu.enqueue_dma source(%arg6 : memref<1024xf32, #tpu.memory_space<hbm>>) target(%arg12 : memref<1024xf32, #tpu.memory_space<vmem>>) target_semaphore(%run_scoped3A : memref<!tpu.dma_semaphore, #tpu.memory_space<semaphore_mem>>)
      tpu.wait_dma2 semaphore(%run_scoped3A : memref<!tpu.dma_semaphore, #tpu.memory_space<semaphore_mem>>) src(%arg6 : memref<1024xf32, #tpu.memory_space<hbm>>) dst(%arg12 : memref<1024xf32, #tpu.memory_space<vmem>>)
      tpu.yield
    }) : () -> ()
    %scan3A = arith.constant 0 : i32
    %scan3A_3 = arith.constant 0 : i32
    %scan3A_4 = arith.constant 4 : i32
    %scan3A_5 = arith.addi %scan3A_3, %scan3A_4 : i32
    %scan3A_6 = arith.constant 1 : i32
    %scan3A_7 = scf.for %scan3A_9 = %scan3A_3 to %scan3A_5 step %scan3A_6 iter_args(%scan3A_10 = %scan3A) -> (i32)  : i32 {
      %mul3A_11 = arith.constant 32 : i32
      %mul3A_12 = arith.muli %scan3A_9, %mul3A_11 : i32
      %add3A_13 = arith.addi %mul3A_2, %mul3A_12 : i32
      "tpu.region"() ({
        %run_scoped3A = tpu.sem_alloc : memref<!tpu.dma_semaphore, #tpu.memory_space<semaphore_mem>>
        %dma_start3A = arith.constant 0 : i32
        %dma_start3A_22 = tpu.memref_slice %arg4[%add3A_13, %dma_start3A] : memref<4096x1024xf32, #tpu.memory_space<hbm>> -> memref<32x1024xf32, #tpu.memory_space<hbm>>
        %dma_start3A_23 = arith.constant 0 : i32
        %dma_start3A_24 = tpu.memref_slice %arg4[%add3A_13, %dma_start3A_23] : memref<4096x1024xf32, #tpu.memory_space<hbm>> -> memref<32x1024xf32, #tpu.memory_space<hbm>>
        tpu.enqueue_dma source(%dma_start3A_24 : memref<32x1024xf32, #tpu.memory_space<hbm>>) target(%arg9 : memref<32x1024xf32, #tpu.memory_space<vmem>>) target_semaphore(%run_scoped3A : memref<!tpu.dma_semaphore, #tpu.memory_space<semaphore_mem>>)
        %dma_wait3A = arith.constant 0 : i32
        %dma_wait3A_25 = tpu.memref_slice %arg4[%add3A_13, %dma_wait3A] : memref<4096x1024xf32, #tpu.memory_space<hbm>> -> memref<32x1024xf32, #tpu.memory_space<hbm>>
        %dma_wait3A_26 = arith.constant 0 : i32
        %dma_wait3A_27 = tpu.memref_slice %arg4[%add3A_13, %dma_wait3A_26] : memref<4096x1024xf32, #tpu.memory_space<hbm>> -> memref<32x1024xf32, #tpu.memory_space<hbm>>
        tpu.wait_dma2 semaphore(%run_scoped3A : memref<!tpu.dma_semaphore, #tpu.memory_space<semaphore_mem>>) src(%dma_wait3A_27 : memref<32x1024xf32, #tpu.memory_space<hbm>>) dst(%arg9 : memref<32x1024xf32, #tpu.memory_space<vmem>>)
        tpu.yield
      }) : () -> ()
      %scan3A_14 = arith.constant 0 : i32
      %scan3A_15 = arith.constant 0 : i32
      %scan3A_16 = arith.constant 4 : i32
      %scan3A_17 = arith.addi %scan3A_15, %scan3A_16 : i32
      %scan3A_18 = arith.constant 1 : i32
      %scan3A_19 = scf.for %scan3A_22 = %scan3A_15 to %scan3A_17 step %scan3A_18 iter_args(%scan3A_23 = %scan3A_14) -> (i32)  : i32 {
        %mul3A_24 = arith.constant 4096 : i32
        %mul3A_25 = arith.muli %scan3A_22, %mul3A_24 : i32
        %add3A_26 = arith.addi %mul3A_25, %add3A_13 : i32
        "tpu.region"() ({
          %run_scoped3A = tpu.sem_alloc : memref<!tpu.dma_semaphore, #tpu.memory_space<semaphore_mem>>
          %dma_start3A_39 = tpu.memref_slice %arg2[%add3A_26] : memref<16384xi32, #tpu.memory_space<hbm>> -> memref<32xi32, #tpu.memory_space<hbm>>
          %dma_start3A_40 = tpu.memref_slice %arg2[%add3A_26] : memref<16384xi32, #tpu.memory_space<hbm>> -> memref<32xi32, #tpu.memory_space<hbm>>
          tpu.enqueue_dma source(%dma_start3A_40 : memref<32xi32, #tpu.memory_space<hbm>>) target(%arg8 : memref<32xi32, #tpu.memory_space<vmem>>) target_semaphore(%run_scoped3A : memref<!tpu.dma_semaphore, #tpu.memory_space<semaphore_mem>>)
          %dma_wait3A_41 = tpu.memref_slice %arg2[%add3A_26] : memref<16384xi32, #tpu.memory_space<hbm>> -> memref<32xi32, #tpu.memory_space<hbm>>
          %dma_wait3A_42 = tpu.memref_slice %arg2[%add3A_26] : memref<16384xi32, #tpu.memory_space<hbm>> -> memref<32xi32, #tpu.memory_space<hbm>>
          tpu.wait_dma2 semaphore(%run_scoped3A : memref<!tpu.dma_semaphore, #tpu.memory_space<semaphore_mem>>) src(%dma_wait3A_42 : memref<32xi32, #tpu.memory_space<hbm>>) dst(%arg8 : memref<32xi32, #tpu.memory_space<vmem>>)
          tpu.yield
        }) : () -> ()
        %dma_start3A = arith.constant 0 : i32
        %dma_start3A_27 = arith.constant 0 : i32
        %dma_start3A_28 = tpu.memref_slice %arg3[%dma_start3A, %dma_start3A_27] : memref<100000x1024xf32, #tpu.memory_space<hbm>> -> memref<100000x1024xf32, #tpu.memory_space<hbm>>
        tpu.enqueue_indirect_dma source(%dma_start3A_28 : memref<100000x1024xf32, #tpu.memory_space<hbm>>) target(%arg10 : memref<32x1024xf32, #tpu.memory_space<vmem>>) offsets(%arg8 : memref<32xi32, #tpu.memory_space<vmem>>) semaphore(%arg13 : memref<!tpu.dma_semaphore, #tpu.memory_space<semaphore_mem>>)
        %dma_wait3A = arith.constant 0 : i32
        %dma_wait3A_29 = arith.constant 0 : i32
        %dma_wait3A_30 = tpu.memref_slice %arg3[%dma_wait3A, %dma_wait3A_29] : memref<100000x1024xf32, #tpu.memory_space<hbm>> -> memref<100000x1024xf32, #tpu.memory_space<hbm>>
        tpu.wait_indirect_dma semaphore(%arg13 : memref<!tpu.dma_semaphore, #tpu.memory_space<semaphore_mem>>) src(%dma_wait3A_30 : memref<100000x1024xf32, #tpu.memory_space<hbm>>) dst(%arg10 : memref<32x1024xf32, #tpu.memory_space<vmem>>)
        %scan3A_31 = arith.constant 0 : i32
        %scan3A_32 = arith.constant 0 : i32
        %scan3A_33 = arith.constant 32 : i32
        %scan3A_34 = arith.addi %scan3A_32, %scan3A_33 : i32
        %scan3A_35 = arith.constant 1 : i32
        %scan3A_36 = scf.for %scan3A_39 = %scan3A_32 to %scan3A_34 step %scan3A_35 iter_args(%scan3A_40 = %scan3A_31) -> (i32)  : i32 {
          %broadcast_in_dim3A = arith.constant 0.000000e+00 : f32
          %broadcast_in_dim3A_41 = vector.broadcast %broadcast_in_dim3A : f32 to vector<16xf32>
          %scan3A_42 = arith.constant 0 : i32
          %scan3A_43 = arith.constant 16 : i32
          %scan3A_44 = arith.addi %scan3A_42, %scan3A_43 : i32
          %scan3A_45 = arith.constant 1 : i32
          %scan3A_46:2 = scf.for %scan3A_105 = %scan3A_42 to %scan3A_44 step %scan3A_45 iter_args(%scan3A_106 = %broadcast_in_dim3A_41, %scan3A_107 = %broadcast_in_dim3A_41) -> (vector<16xf32>, vector<16xf32>)  : i32 {
            %mul3A_108 = arith.constant 4 : i32
            %mul3A_109 = arith.muli %scan3A_105, %mul3A_108 : i32
            %add3A_110 = arith.constant 0 : i32
            %add3A_111 = arith.addi %mul3A_109, %add3A_110 : i32
            %mul3A_112 = arith.constant 16 : i32
            %mul3A_113 = arith.muli %add3A_111, %mul3A_112 : i32
            %get3A = arith.index_cast %scan3A_39 : i32 to index
            %get3A_114 = arith.index_cast %mul3A_113 : i32 to index
            %get3A_115 = tpu.vector_load %arg10[%get3A, %get3A_114] {strides = array<i32>} : memref<32x1024xf32, #tpu.memory_space<vmem>>, vector<16xf32>,
            %mul3A_116 = arith.constant 3.200000e+01 : f32
            %mul3A_117 = vector.broadcast %mul3A_116 : f32 to vector<16xf32>
            %mul3A_118 = arith.mulf %get3A_115, %mul3A_117 : vector<16xf32>
            %get3A_119 = arith.index_cast %scan3A_39 : i32 to index
            %get3A_120 = arith.index_cast %mul3A_113 : i32 to index
            %get3A_121 = tpu.vector_load %arg9[%get3A_119, %get3A_120] {strides = array<i32>} : memref<32x1024xf32, #tpu.memory_space<vmem>>, vector<16xf32>,
            %add3A_122 = arith.addf %mul3A_118, %get3A_121 : vector<16xf32>
            %swap3A = arith.index_cast %scan3A_39 : i32 to index
            %swap3A_123 = arith.index_cast %mul3A_113 : i32 to index
            %swap3A_124 = tpu.vector_load %arg10[%swap3A, %swap3A_123] {strides = array<i32>} : memref<32x1024xf32, #tpu.memory_space<vmem>>, vector<16xf32>,
            tpu.vector_store %arg10[%swap3A, %swap3A_123], %add3A_122 {strides = array<i32>} : memref<32x1024xf32, #tpu.memory_space<vmem>>, vector<16xf32>,
            %add3A_125 = arith.addf %scan3A_106, %add3A_122 : vector<16xf32>
            %mul3A_126 = arith.mulf %add3A_122, %add3A_122 : vector<16xf32>
            %add3A_127 = arith.addf %scan3A_107, %mul3A_126 : vector<16xf32>
            %mul3A_128 = arith.constant 4 : i32
            %mul3A_129 = arith.muli %scan3A_105, %mul3A_128 : i32
            %add3A_130 = arith.constant 1 : i32
            %add3A_131 = arith.addi %mul3A_129, %add3A_130 : i32
            %mul3A_132 = arith.constant 16 : i32
            %mul3A_133 = arith.muli %add3A_131, %mul3A_132 : i32
            %get3A_134 = arith.index_cast %scan3A_39 : i32 to index
            %get3A_135 = arith.index_cast %mul3A_133 : i32 to index
            %get3A_136 = tpu.vector_load %arg10[%get3A_134, %get3A_135] {strides = array<i32>} : memref<32x1024xf32, #tpu.memory_space<vmem>>, vector<16xf32>,
            %mul3A_137 = arith.constant 3.200000e+01 : f32
            %mul3A_138 = vector.broadcast %mul3A_137 : f32 to vector<16xf32>
            %mul3A_139 = arith.mulf %get3A_136, %mul3A_138 : vector<16xf32>
            %get3A_140 = arith.index_cast %scan3A_39 : i32 to index
            %get3A_141 = arith.index_cast %mul3A_133 : i32 to index
            %get3A_142 = tpu.vector_load %arg9[%get3A_140, %get3A_141] {strides = array<i32>} : memref<32x1024xf32, #tpu.memory_space<vmem>>, vector<16xf32>,
            %add3A_143 = arith.addf %mul3A_139, %get3A_142 : vector<16xf32>
            %swap3A_144 = arith.index_cast %scan3A_39 : i32 to index
            %swap3A_145 = arith.index_cast %mul3A_133 : i32 to index
            %swap3A_146 = tpu.vector_load %arg10[%swap3A_144, %swap3A_145] {strides = array<i32>} : memref<32x1024xf32, #tpu.memory_space<vmem>>, vector<16xf32>,
            tpu.vector_store %arg10[%swap3A_144, %swap3A_145], %add3A_143 {strides = array<i32>} : memref<32x1024xf32, #tpu.memory_space<vmem>>, vector<16xf32>,
            %add3A_147 = arith.addf %add3A_125, %add3A_143 : vector<16xf32>
            %mul3A_148 = arith.mulf %add3A_143, %add3A_143 : vector<16xf32>
            %add3A_149 = arith.addf %add3A_127, %mul3A_148 : vector<16xf32>
            %mul3A_150 = arith.constant 4 : i32
            %mul3A_151 = arith.muli %scan3A_105, %mul3A_150 : i32
            %add3A_152 = arith.constant 2 : i32
            %add3A_153 = arith.addi %mul3A_151, %add3A_152 : i32
            %mul3A_154 = arith.constant 16 : i32
            %mul3A_155 = arith.muli %add3A_153, %mul3A_154 : i32
            %get3A_156 = arith.index_cast %scan3A_39 : i32 to index
            %get3A_157 = arith.index_cast %mul3A_155 : i32 to index
            %get3A_158 = tpu.vector_load %arg10[%get3A_156, %get3A_157] {strides = array<i32>} : memref<32x1024xf32, #tpu.memory_space<vmem>>, vector<16xf32>,
            %mul3A_159 = arith.constant 3.200000e+01 : f32
            %mul3A_160 = vector.broadcast %mul3A_159 : f32 to vector<16xf32>
            %mul3A_161 = arith.mulf %get3A_158, %mul3A_160 : vector<16xf32>
            %get3A_162 = arith.index_cast %scan3A_39 : i32 to index
            %get3A_163 = arith.index_cast %mul3A_155 : i32 to index
            %get3A_164 = tpu.vector_load %arg9[%get3A_162, %get3A_163] {strides = array<i32>} : memref<32x1024xf32, #tpu.memory_space<vmem>>, vector<16xf32>,
            %add3A_165 = arith.addf %mul3A_161, %get3A_164 : vector<16xf32>
            %swap3A_166 = arith.index_cast %scan3A_39 : i32 to index
            %swap3A_167 = arith.index_cast %mul3A_155 : i32 to index
            %swap3A_168 = tpu.vector_load %arg10[%swap3A_166, %swap3A_167] {strides = array<i32>} : memref<32x1024xf32, #tpu.memory_space<vmem>>, vector<16xf32>,
            tpu.vector_store %arg10[%swap3A_166, %swap3A_167], %add3A_165 {strides = array<i32>} : memref<32x1024xf32, #tpu.memory_space<vmem>>, vector<16xf32>,
            %add3A_169 = arith.addf %add3A_147, %add3A_165 : vector<16xf32>
            %mul3A_170 = arith.mulf %add3A_165, %add3A_165 : vector<16xf32>
            %add3A_171 = arith.addf %add3A_149, %mul3A_170 : vector<16xf32>
            %mul3A_172 = arith.constant 4 : i32
            %mul3A_173 = arith.muli %scan3A_105, %mul3A_172 : i32
            %add3A_174 = arith.constant 3 : i32
            %add3A_175 = arith.addi %mul3A_173, %add3A_174 : i32
            %mul3A_176 = arith.constant 16 : i32
            %mul3A_177 = arith.muli %add3A_175, %mul3A_176 : i32
            %get3A_178 = arith.index_cast %scan3A_39 : i32 to index
            %get3A_179 = arith.index_cast %mul3A_177 : i32 to index
            %get3A_180 = tpu.vector_load %arg10[%get3A_178, %get3A_179] {strides = array<i32>} : memref<32x1024xf32, #tpu.memory_space<vmem>>, vector<16xf32>,
            %mul3A_181 = arith.constant 3.200000e+01 : f32
            %mul3A_182 = vector.broadcast %mul3A_181 : f32 to vector<16xf32>
            %mul3A_183 = arith.mulf %get3A_180, %mul3A_182 : vector<16xf32>
            %get3A_184 = arith.index_cast %scan3A_39 : i32 to index
            %get3A_185 = arith.index_cast %mul3A_177 : i32 to index
            %get3A_186 = tpu.vector_load %arg9[%get3A_184, %get3A_185] {strides = array<i32>} : memref<32x1024xf32, #tpu.memory_space<vmem>>, vector<16xf32>,
            %add3A_187 = arith.addf %mul3A_183, %get3A_186 : vector<16xf32>
            %swap3A_188 = arith.index_cast %scan3A_39 : i32 to index
            %swap3A_189 = arith.index_cast %mul3A_177 : i32 to index
            %swap3A_190 = tpu.vector_load %arg10[%swap3A_188, %swap3A_189] {strides = array<i32>} : memref<32x1024xf32, #tpu.memory_space<vmem>>, vector<16xf32>,
            tpu.vector_store %arg10[%swap3A_188, %swap3A_189], %add3A_187 {strides = array<i32>} : memref<32x1024xf32, #tpu.memory_space<vmem>>, vector<16xf32>,
            %add3A_191 = arith.addf %add3A_169, %add3A_187 : vector<16xf32>
            %mul3A_192 = arith.mulf %add3A_187, %add3A_187 : vector<16xf32>
            %add3A_193 = arith.addf %add3A_171, %mul3A_192 : vector<16xf32>
            scf.yield %add3A_191, %add3A_193 : vector<16xf32>, vector<16xf32>
          }
          %scan3A_47 = arith.constant 16 : i32
          %reduce_sum3A = arith.constant true
          %reduce_sum3A_48 = vector.broadcast %reduce_sum3A : i1 to vector<16xi1>
          %reduce_sum3A_49 = tpu.scan <sum>, %scan3A_46#0 masked %reduce_sum3A_48 : vector<16xf32>, vector<16xi1> -> vector<16xf32>
          %reduce_sum3A_50 = vector.extract %reduce_sum3A_49[15] : f32 from vector<16xf32>
          %mul3A_51 = arith.constant 9.765625E-4 : f32
          %mul3A_52 = arith.mulf %reduce_sum3A_50, %mul3A_51 : f32
          %reduce_sum3A_53 = arith.constant true
          %reduce_sum3A_54 = vector.broadcast %reduce_sum3A_53 : i1 to vector<16xi1>
          %reduce_sum3A_55 = tpu.scan <sum>, %scan3A_46#1 masked %reduce_sum3A_54 : vector<16xf32>, vector<16xi1> -> vector<16xf32>
          %reduce_sum3A_56 = vector.extract %reduce_sum3A_55[15] : f32 from vector<16xf32>
          %mul3A_57 = arith.constant 9.765625E-4 : f32
          %mul3A_58 = arith.mulf %reduce_sum3A_56, %mul3A_57 : f32
          %mul3A_59 = arith.mulf %mul3A_52, %mul3A_52 : f32
          %sub3A = arith.subf %mul3A_58, %mul3A_59 : f32
          %add3A_60 = arith.constant 9.99999974E-6 : f32
          %add3A_61 = arith.addf %sub3A, %add3A_60 : f32
          %broadcast_in_dim3A_62 = vector.broadcast %add3A_61 : f32 to vector<16xf32>
          %bitcast3A = vector.bitcast %broadcast_in_dim3A_62 : vector<16xf32> to vector<16xi32>
          %shift_right_arithmetic3A = arith.constant 1 : i32
          %shift_right_arithmetic3A_63 = vector.broadcast %shift_right_arithmetic3A : i32 to vector<16xi32>
          %shift_right_arithmetic3A_64 = arith.shrsi %bitcast3A, %shift_right_arithmetic3A_63 : vector<16xi32>
          %sub3A_65 = arith.constant 1597463007 : i32
          %sub3A_66 = vector.broadcast %sub3A_65 : i32 to vector<16xi32>
          %sub3A_67 = arith.subi %sub3A_66, %shift_right_arithmetic3A_64 : vector<16xi32>
          %bitcast3A_68 = vector.bitcast %sub3A_67 : vector<16xi32> to vector<16xf32>
          %mul3A_69 = arith.constant 5.000000e-01 : f32
          %mul3A_70 = vector.broadcast %mul3A_69 : f32 to vector<16xf32>
          %mul3A_71 = arith.mulf %mul3A_70, %broadcast_in_dim3A_62 : vector<16xf32>
          %mul3A_72 = arith.mulf %mul3A_71, %bitcast3A_68 : vector<16xf32>
          %mul3A_73 = arith.mulf %mul3A_72, %bitcast3A_68 : vector<16xf32>
          %sub3A_74 = arith.constant 1.500000e+00 : f32
          %sub3A_75 = vector.broadcast %sub3A_74 : f32 to vector<16xf32>
          %sub3A_76 = arith.subf %sub3A_75, %mul3A_73 : vector<16xf32>
          %mul3A_77 = arith.mulf %bitcast3A_68, %sub3A_76 : vector<16xf32>
          %mul3A_78 = arith.constant 5.000000e-01 : f32
          %mul3A_79 = vector.broadcast %mul3A_78 : f32 to vector<16xf32>
          %mul3A_80 = arith.mulf %mul3A_79, %broadcast_in_dim3A_62 : vector<16xf32>
          %mul3A_81 = arith.mulf %mul3A_80, %mul3A_77 : vector<16xf32>
          %mul3A_82 = arith.mulf %mul3A_81, %mul3A_77 : vector<16xf32>
          %sub3A_83 = arith.constant 1.500000e+00 : f32
          %sub3A_84 = vector.broadcast %sub3A_83 : f32 to vector<16xf32>
          %sub3A_85 = arith.subf %sub3A_84, %mul3A_82 : vector<16xf32>
          %mul3A_86 = arith.mulf %mul3A_77, %sub3A_85 : vector<16xf32>
          %mul3A_87 = arith.constant 5.000000e-01 : f32
          %mul3A_88 = vector.broadcast %mul3A_87 : f32 to vector<16xf32>
          %mul3A_89 = arith.mulf %mul3A_88, %broadcast_in_dim3A_62 : vector<16xf32>
          %mul3A_90 = arith.mulf %mul3A_89, %mul3A_86 : vector<16xf32>
          %mul3A_91 = arith.mulf %mul3A_90, %mul3A_86 : vector<16xf32>
          %sub3A_92 = arith.constant 1.500000e+00 : f32
          %sub3A_93 = vector.broadcast %sub3A_92 : f32 to vector<16xf32>
          %sub3A_94 = arith.subf %sub3A_93, %mul3A_91 : vector<16xf32>
          %mul3A_95 = arith.mulf %mul3A_86, %sub3A_94 : vector<16xf32>
          %broadcast_in_dim3A_96 = vector.broadcast %mul3A_52 : f32 to vector<16xf32>
          %scan3A_97 = arith.constant 0 : i32
          %scan3A_98 = arith.constant 0 : i32
          %scan3A_99 = arith.constant 16 : i32
          %scan3A_100 = arith.addi %scan3A_98, %scan3A_99 : i32
          %scan3A_101 = arith.constant 1 : i32
          %scan3A_102 = scf.for %scan3A_105 = %scan3A_98 to %scan3A_100 step %scan3A_101 iter_args(%scan3A_106 = %scan3A_97) -> (i32)  : i32 {
            %mul3A_107 = arith.constant 4 : i32
            %mul3A_108 = arith.muli %scan3A_105, %mul3A_107 : i32
            %add3A_109 = arith.constant 0 : i32
            %add3A_110 = arith.addi %mul3A_108, %add3A_109 : i32
            %mul3A_111 = arith.constant 16 : i32
            %mul3A_112 = arith.muli %add3A_110, %mul3A_111 : i32
            %get3A = arith.index_cast %scan3A_39 : i32 to index
            %get3A_113 = arith.index_cast %mul3A_112 : i32 to index
            %get3A_114 = tpu.vector_load %arg10[%get3A, %get3A_113] {strides = array<i32>} : memref<32x1024xf32, #tpu.memory_space<vmem>>, vector<16xf32>,
            %sub3A_115 = arith.subf %get3A_114, %broadcast_in_dim3A_96 : vector<16xf32>
            %mul3A_116 = arith.mulf %sub3A_115, %mul3A_95 : vector<16xf32>
            %get3A_117 = arith.index_cast %mul3A_112 : i32 to index
            %get3A_118 = tpu.vector_load %arg11[%get3A_117] {strides = array<i32>} : memref<1024xf32, #tpu.memory_space<vmem>>, vector<16xf32>,
            %mul3A_119 = arith.mulf %mul3A_116, %get3A_118 : vector<16xf32>
            %get3A_120 = arith.index_cast %mul3A_112 : i32 to index
            %get3A_121 = tpu.vector_load %arg12[%get3A_120] {strides = array<i32>} : memref<1024xf32, #tpu.memory_space<vmem>>, vector<16xf32>,
            %add3A_122 = arith.addf %mul3A_119, %get3A_121 : vector<16xf32>
            %swap3A = arith.index_cast %scan3A_39 : i32 to index
            %swap3A_123 = arith.index_cast %mul3A_112 : i32 to index
            %swap3A_124 = tpu.vector_load %arg10[%swap3A, %swap3A_123] {strides = array<i32>} : memref<32x1024xf32, #tpu.memory_space<vmem>>, vector<16xf32>,
            tpu.vector_store %arg10[%swap3A, %swap3A_123], %add3A_122 {strides = array<i32>} : memref<32x1024xf32, #tpu.memory_space<vmem>>, vector<16xf32>,
            %mul3A_125 = arith.constant 4 : i32
            %mul3A_126 = arith.muli %scan3A_105, %mul3A_125 : i32
            %add3A_127 = arith.constant 1 : i32
            %add3A_128 = arith.addi %mul3A_126, %add3A_127 : i32
            %mul3A_129 = arith.constant 16 : i32
            %mul3A_130 = arith.muli %add3A_128, %mul3A_129 : i32
            %get3A_131 = arith.index_cast %scan3A_39 : i32 to index
            %get3A_132 = arith.index_cast %mul3A_130 : i32 to index
            %get3A_133 = tpu.vector_load %arg10[%get3A_131, %get3A_132] {strides = array<i32>} : memref<32x1024xf32, #tpu.memory_space<vmem>>, vector<16xf32>,
            %sub3A_134 = arith.subf %get3A_133, %broadcast_in_dim3A_96 : vector<16xf32>
            %mul3A_135 = arith.mulf %sub3A_134, %mul3A_95 : vector<16xf32>
            %get3A_136 = arith.index_cast %mul3A_130 : i32 to index
            %get3A_137 = tpu.vector_load %arg11[%get3A_136] {strides = array<i32>} : memref<1024xf32, #tpu.memory_space<vmem>>, vector<16xf32>,
            %mul3A_138 = arith.mulf %mul3A_135, %get3A_137 : vector<16xf32>
            %get3A_139 = arith.index_cast %mul3A_130 : i32 to index
            %get3A_140 = tpu.vector_load %arg12[%get3A_139] {strides = array<i32>} : memref<1024xf32, #tpu.memory_space<vmem>>, vector<16xf32>,
            %add3A_141 = arith.addf %mul3A_138, %get3A_140 : vector<16xf32>
            %swap3A_142 = arith.index_cast %scan3A_39 : i32 to index
            %swap3A_143 = arith.index_cast %mul3A_130 : i32 to index
            %swap3A_144 = tpu.vector_load %arg10[%swap3A_142, %swap3A_143] {strides = array<i32>} : memref<32x1024xf32, #tpu.memory_space<vmem>>, vector<16xf32>,
            tpu.vector_store %arg10[%swap3A_142, %swap3A_143], %add3A_141 {strides = array<i32>} : memref<32x1024xf32, #tpu.memory_space<vmem>>, vector<16xf32>,
            %mul3A_145 = arith.constant 4 : i32
            %mul3A_146 = arith.muli %scan3A_105, %mul3A_145 : i32
            %add3A_147 = arith.constant 2 : i32
            %add3A_148 = arith.addi %mul3A_146, %add3A_147 : i32
            %mul3A_149 = arith.constant 16 : i32
            %mul3A_150 = arith.muli %add3A_148, %mul3A_149 : i32
            %get3A_151 = arith.index_cast %scan3A_39 : i32 to index
            %get3A_152 = arith.index_cast %mul3A_150 : i32 to index
            %get3A_153 = tpu.vector_load %arg10[%get3A_151, %get3A_152] {strides = array<i32>} : memref<32x1024xf32, #tpu.memory_space<vmem>>, vector<16xf32>,
            %sub3A_154 = arith.subf %get3A_153, %broadcast_in_dim3A_96 : vector<16xf32>
            %mul3A_155 = arith.mulf %sub3A_154, %mul3A_95 : vector<16xf32>
            %get3A_156 = arith.index_cast %mul3A_150 : i32 to index
            %get3A_157 = tpu.vector_load %arg11[%get3A_156] {strides = array<i32>} : memref<1024xf32, #tpu.memory_space<vmem>>, vector<16xf32>,
            %mul3A_158 = arith.mulf %mul3A_155, %get3A_157 : vector<16xf32>
            %get3A_159 = arith.index_cast %mul3A_150 : i32 to index
            %get3A_160 = tpu.vector_load %arg12[%get3A_159] {strides = array<i32>} : memref<1024xf32, #tpu.memory_space<vmem>>, vector<16xf32>,
            %add3A_161 = arith.addf %mul3A_158, %get3A_160 : vector<16xf32>
            %swap3A_162 = arith.index_cast %scan3A_39 : i32 to index
            %swap3A_163 = arith.index_cast %mul3A_150 : i32 to index
            %swap3A_164 = tpu.vector_load %arg10[%swap3A_162, %swap3A_163] {strides = array<i32>} : memref<32x1024xf32, #tpu.memory_space<vmem>>, vector<16xf32>,
            tpu.vector_store %arg10[%swap3A_162, %swap3A_163], %add3A_161 {strides = array<i32>} : memref<32x1024xf32, #tpu.memory_space<vmem>>, vector<16xf32>,
            %mul3A_165 = arith.constant 4 : i32
            %mul3A_166 = arith.muli %scan3A_105, %mul3A_165 : i32
            %add3A_167 = arith.constant 3 : i32
            %add3A_168 = arith.addi %mul3A_166, %add3A_167 : i32
            %mul3A_169 = arith.constant 16 : i32
            %mul3A_170 = arith.muli %add3A_168, %mul3A_169 : i32
            %get3A_171 = arith.index_cast %scan3A_39 : i32 to index
            %get3A_172 = arith.index_cast %mul3A_170 : i32 to index
            %get3A_173 = tpu.vector_load %arg10[%get3A_171, %get3A_172] {strides = array<i32>} : memref<32x1024xf32, #tpu.memory_space<vmem>>, vector<16xf32>,
            %sub3A_174 = arith.subf %get3A_173, %broadcast_in_dim3A_96 : vector<16xf32>
            %mul3A_175 = arith.mulf %sub3A_174, %mul3A_95 : vector<16xf32>
            %get3A_176 = arith.index_cast %mul3A_170 : i32 to index
            %get3A_177 = tpu.vector_load %arg11[%get3A_176] {strides = array<i32>} : memref<1024xf32, #tpu.memory_space<vmem>>, vector<16xf32>,
            %mul3A_178 = arith.mulf %mul3A_175, %get3A_177 : vector<16xf32>
            %get3A_179 = arith.index_cast %mul3A_170 : i32 to index
            %get3A_180 = tpu.vector_load %arg12[%get3A_179] {strides = array<i32>} : memref<1024xf32, #tpu.memory_space<vmem>>, vector<16xf32>,
            %add3A_181 = arith.addf %mul3A_178, %get3A_180 : vector<16xf32>
            %swap3A_182 = arith.index_cast %scan3A_39 : i32 to index
            %swap3A_183 = arith.index_cast %mul3A_170 : i32 to index
            %swap3A_184 = tpu.vector_load %arg10[%swap3A_182, %swap3A_183] {strides = array<i32>} : memref<32x1024xf32, #tpu.memory_space<vmem>>, vector<16xf32>,
            tpu.vector_store %arg10[%swap3A_182, %swap3A_183], %add3A_181 {strides = array<i32>} : memref<32x1024xf32, #tpu.memory_space<vmem>>, vector<16xf32>,
            %scan3A_185 = arith.constant 0 : i32
            scf.yield %scan3A_185 : i32
          }
          %scan3A_103 = arith.constant 16 : i32
          %scan3A_104 = arith.constant 0 : i32
          scf.yield %scan3A_104 : i32
        }
        %scan3A_37 = arith.constant 32 : i32
        "tpu.region"() ({
          %run_scoped3A = tpu.sem_alloc : memref<!tpu.dma_semaphore, #tpu.memory_space<semaphore_mem>>
          %dma_start3A_39 = arith.constant 0 : i32
          %dma_start3A_40 = tpu.memref_slice %arg7[%add3A_26, %dma_start3A_39] : memref<16384x1024xf32, #tpu.memory_space<hbm>> -> memref<32x1024xf32, #tpu.memory_space<hbm>>
          %dma_start3A_41 = arith.constant 0 : i32
          %dma_start3A_42 = tpu.memref_slice %arg7[%add3A_26, %dma_start3A_41] : memref<16384x1024xf32, #tpu.memory_space<hbm>> -> memref<32x1024xf32, #tpu.memory_space<hbm>>
          tpu.enqueue_dma source(%arg10 : memref<32x1024xf32, #tpu.memory_space<vmem>>) target(%dma_start3A_42 : memref<32x1024xf32, #tpu.memory_space<hbm>>) target_semaphore(%run_scoped3A : memref<!tpu.dma_semaphore, #tpu.memory_space<semaphore_mem>>)
          %dma_wait3A_43 = arith.constant 0 : i32
          %dma_wait3A_44 = tpu.memref_slice %arg7[%add3A_26, %dma_wait3A_43] : memref<16384x1024xf32, #tpu.memory_space<hbm>> -> memref<32x1024xf32, #tpu.memory_space<hbm>>
          %dma_wait3A_45 = arith.constant 0 : i32
          %dma_wait3A_46 = tpu.memref_slice %arg7[%add3A_26, %dma_wait3A_45] : memref<16384x1024xf32, #tpu.memory_space<hbm>> -> memref<32x1024xf32, #tpu.memory_space<hbm>>
          tpu.wait_dma2 semaphore(%run_scoped3A : memref<!tpu.dma_semaphore, #tpu.memory_space<semaphore_mem>>) src(%arg10 : memref<32x1024xf32, #tpu.memory_space<vmem>>) dst(%dma_wait3A_46 : memref<32x1024xf32, #tpu.memory_space<hbm>>)
          tpu.yield
        }) : () -> ()
        %scan3A_38 = arith.constant 0 : i32
        scf.yield %scan3A_38 : i32
      }
      %scan3A_20 = arith.constant 4 : i32
      %scan3A_21 = arith.constant 0 : i32
      scf.yield %scan3A_21 : i32
    }
    %scan3A_8 = arith.constant 4 : i32
    return
  }
}

</mosaic_0001>

<sc_bundles>
// kernel: kernel.3.cloned.1.call-start
scs
__scs_entry_jumppad:
0x0: {  	(pc) =	sbr.rel $0x88, $3  }
0x1: {  	(tag) =	ssettag $0x0;
	lr =	simm.s32 $0x1  }
0x2: {  	[smem:$0x3F9B] =	sst lr;
	_ =	strace $0xD0000000  }
0x3: {  	_ = 	snop  }
0x4: {  	_ = 	snop  }
0x5: {  	_ = 	snop  }
0x6: {  	_ = 	snop  }
0x7: {  	_ = 	snop  }
__scs_overlays_trampoline_lowered:
0x8: {  	[smem:$0x3FAA] =	sst s0  }
0x9: {  	[smem:$0x3FAB] =	sst s1  }
0xa: {  	[smem:$0x3FAC] =	sst s2  }
0xb: {  	[smem:$0x3FAD] =	sst s3  }
0xc: {  	[smem:$0x3FAE] =	sst s4  }
0xd: {  	[smem:$0x3FAF] =	sst s5  }
0xe: {  	[smem:$0x3FB0] =	sst s6  }
0xf: {  	[smem:$0x3FB1] =	sst s7  }
0x10: {  	[smem:$0x3FB2] =	sst s8  }
0x11: {  	[smem:$0x3FB3] =	sst s9;
	s0 =	simm.s32 @!p0 $0x0  }
0x12: {  	s1 =	sld [smem:$0x3F99];
	s0 =	simm.s32 @p0 $0x1  }
0x13: {  	[smem:$0x3FB4] =	sst s0;
	s0 =	simm.s32 @!p1 $0x0  }
0x14: {  	s2 =	sld [smem:$0x3F98];
	s0 =	simm.s32 @p1 $0x1  }
0x15: {  	[smem:$0x3FB5] =	sst s0;
	s0 =	simm.s32 @!p2 $0x0  }
0x16: {  	s3 =	sld [smem:$0x3FDB];
	s0 =	simm.s32 @p2 $0x1  }
0x17: {  	s4 =	simm.s32 $0x1BF5;
	[smem:$0x3FB7] =	sst s0  }
0x18: {  	s0 =	sld [smem:$0x3F9A];
	_ =	swait.ge [sflag:s4], $0x0  }
0x19: {  	s7 =	sld [smem:$0x3F9B]  }
0x1a: {  	s8 =	sadd.s32 $0xFFFFE003, lr  }
0x1b: {  	s9 =	sadd.s32 $0xFFFFFEF7, lr;
	s5 =	simm.s32 $0xFFFFFFFF;
	p2 =	slt.u32 s8, $0xFFFFF086  }
0x1c: {  	p1 =	slt.u32 s9, $0xF7A;
	s5 =	simm.s32 @!p2 $0x0  }
0x1d: {  	s5 =	simm.s32 @p1 $0x1;
	p0 =	seq.s32 s7, s2  }
0x1e: {  	s7 =	smul.u32 @!p0 $0xF7A, s2;
	p2 =	seq.s32 @!p0 s5, $0x0  }
0x1f: {  	s9 =	smul.u32 $0xF7A, s1;
	s8 =	simm.s32 @!p0 $0x1BF5;
	p2 =	por !p2, p0  }
0x20: {  	[sflag:s8] =	ssyncset.s32 @!p0 $0xFFFFF086;
	s6 =	sadd.s32 @!p0 s3, s7;
	s7 =	simm.s32 @!p0 $0x108  }
0x21: {  	s3 =	sadd.s32 s3, s9;
	s6 =	sadd.s32 @!p0 $0x88, s6;
	s7 =	simm.s32 @p2 $0x1082  }
0x22: {  	[simem:s7], [sflag:s8] =	dma.local @!p0 [hbm:s6], $0xF7A  }
0x23: {  	s9 =	sor.u32 $0xD0000000, s2;
	s6 =	simm.s32 $0x108;
	_ =	swait.ge @!p0 [sflag:s8], $0x0  }
0x24: {  	s3 =	sadd.s32 $0x88, s3;
	s6 =	simm.s32 @!p1 $0x1082;
	[sflag:s4] =	ssyncset.s32 $0xFFFFF086  }
0x25: {  	[simem:s6], [sflag:s4] =	dma.local [hbm:s3], $0xF7A  }
0x26: {  	[smem:$0x3F9B] =	sst s1;
	(tag) =	ssettag s2;
	_ =	strace s9  }
0x27: {  	s1 =	sld [smem:$0x3FAB]  }
0x28: {  	s2 =	sld [smem:$0x3FAC]  }
0x29: {  	s4 =	sld [smem:$0x3FAE]  }
0x2a: {  	p0 =	seq.s32 s5, $0x0;
	s5 =	sld [smem:$0x3FAF]  }
0x2b: {  	s6 =	sld [smem:$0x3FB0]  }
0x2c: {  	s7 =	sld [smem:$0x3FB1]  }
0x2d: {  	s3 =	simm.s32 $0x108;
	s8 =	sld [smem:$0x3FB2]  }
0x2e: {  	s3 =	simm.s32 @!p0 $0x1082;
	s9 =	sld [smem:$0x3FB3]  }
0x2f: {  	lr =	sadd.s32 s0, s3;
	s0 =	sld [smem:$0x3FAA]  }
0x30: {  	s3 =	sld [smem:$0x3FAD]  }
0x31: {  	[smem:$0x3FB6] =	sst s10  }
0x32: {  	s10 =	sld [smem:$0x3FB4];
	_ =	sdelay $0x3  }
0x33: {  	p0 =	seq.s32 s10, $0x1;
	s10 =	sld [smem:$0x3FB6];
	_ =	sdelay $0x3  }
0x34: {  	[smem:$0x3FB6] =	sst s10  }
0x35: {  	s10 =	sld [smem:$0x3FB5];
	_ =	sdelay $0x3  }
0x36: {  	p1 =	seq.s32 s10, $0x1;
	s10 =	sld [smem:$0x3FB6];
	_ =	sdelay $0x3  }
0x37: {  	[smem:$0x3FB6] =	sst s10  }
0x38: {  	s10 =	sld [smem:$0x3FB7]  }
0x39: {  	_ = 	snop;
	(pc) =	sbr.ind lr, $3  }
0x3a: {  	_ = 	snop  }
0x3b: {  	_ = 	snop  }
0x3c: {  	p2 =	seq.s32 s10, $0x1;
	s10 =	sld [smem:$0x3FB6]  }
0x3d: {  	_ =	shalt  }
0x3e: {  	_ =	shalt  }
0x3f: {  	_ =	shalt  }
0x40: {  	_ =	shalt  }
0x41: {  	_ =	shalt  }
0x42: {  	_ =	shalt  }
0x43: {  	_ =	shalt  }
0x44: {  	_ =	shalt  }
0x45: {  	_ =	shalt  }
0x46: {  	_ =	shalt  }
0x47: {  	_ =	shalt  }
0x48: {  	_ =	shalt  }
0x49: {  	_ =	shalt  }
0x4a: {  	_ =	shalt  }
0x4b: {  	_ =	shalt  }
0x4c: {  	_ =	shalt  }
0x4d: {  	_ =	shalt  }
0x4e: {  	_ =	shalt  }
0x4f: {  	_ =	shalt  }
0x50: {  	_ =	shalt  }
0x51: {  	_ =	shalt  }
0x52: {  	_ =	shalt  }
0x53: {  	_ =	shalt  }
0x54: {  	_ =	shalt  }
0x55: {  	_ =	shalt  }
0x56: {  	_ =	shalt  }
0x57: {  	_ =	shalt  }
0x58: {  	_ =	shalt  }
0x59: {  	_ =	shalt  }
0x5a: {  	_ =	shalt  }
0x5b: {  	_ =	shalt  }
0x5c: {  	_ =	shalt  }
0x5d: {  	_ =	shalt  }
0x5e: {  	_ =	shalt  }
0x5f: {  	_ =	shalt  }
0x60: {  	_ =	shalt  }
0x61: {  	_ =	shalt  }
0x62: {  	_ =	shalt  }
0x63: {  	_ =	shalt  }
0x64: {  	_ =	shalt  }
0x65: {  	_ =	shalt  }
0x66: {  	_ =	shalt  }
0x67: {  	_ =	shalt  }
0x68: {  	_ =	shalt  }
0x69: {  	_ =	shalt  }
0x6a: {  	_ =	shalt  }
0x6b: {  	_ =	shalt  }
0x6c: {  	_ =	shalt  }
0x6d: {  	_ =	shalt  }
0x6e: {  	_ =	shalt  }
0x6f: {  	_ =	shalt  }
0x70: {  	_ =	shalt  }
0x71: {  	_ =	shalt  }
0x72: {  	_ =	shalt  }
0x73: {  	_ =	shalt  }
0x74: {  	_ =	shalt  }
0x75: {  	_ =	shalt  }
0x76: {  	_ =	shalt  }
0x77: {  	_ =	shalt  }
0x78: {  	_ =	shalt  }
0x79: {  	_ =	shalt  }
0x7a: {  	_ =	shalt  }
0x7b: {  	_ =	shalt  }
0x7c: {  	_ =	shalt  }
0x7d: {  	_ =	shalt  }
0x7e: {  	_ =	shalt  }
0x7f: {  	_ =	shalt  }
0x80: {  	_ =	shalt  }
0x81: {  	_ =	shalt  }
0x82: {  	_ =	shalt  }
0x83: {  	_ =	shalt  }
0x84: {  	_ =	shalt  }
0x85: {  	_ =	shalt  }
0x86: {  	_ =	shalt  }
0x87: {  	_ =	shalt  }
.Lfunc_end0:
.L_simem_size_0:
called_computation_lowered:
.L_overlay_start_0:
0x88: {  	s2 =	sld [smem:$0x3FD9]  }
0x89: {  	s3 =	sld [smem:$0x3FFE];
	_ =	sdelay $0x1  }
0x8a: {  	s1 =	srdreg.scid  }
0x8b: {  	s0 =	sand.u32 $0x1, s1  }
0x8c: {  	s14 =	sshll.u32 s0, $0xA;
	s2 =	sadd.s32 s3, s2  }
0x8d: {  	s2 =	sadd.s32 s2, s14  }
0x8e: {  	[smem:$0x3FC2] =	sst s2  }
0x8f: {  	_ = 	snop  }
0x90: {  	s2 =	sld [smem:$0x3FC7]  }
0x91: {  	s15 =	sld [smem:$0x3FD0]  }
0x92: {  	s4 =	sld [smem:$0x3FC6]  }
0x93: {  	s5 =	sld [smem:$0x3FC5]  }
0x94: {  	s7 =	simm.s32 $0xA;
	s8 =	simm.s32 $0x10;
	s6 =	sld [smem:$0x3FC4]  }
0x95: {  	[smem:s8], [sflag:s7] =	dma.local [hbm:s15], $0x1  }
0x96: {  	_ =	swait.eq [sflag:s7], $0x1  }
0x97: {  	[sflag:s7] =	ssyncset.done $0x0  }
0x98: {  	[sflag:s7] =	ssyncadd.s32 $0xFFFFFFFF  }
0x99: {  	s16 =	sld [smem:$0x10];
	(tm) =	ssettm $0x1  }
0x9a: {  	s17 =	sld [smem:$0x3FFB];
	_ =	sdelay $0x3  }
0x9b: {  	_ =	strace s17  }
0x9c: {  	s7 =	sld [smem:$0x3FFC];
	_ =	sdelay $0x3  }
0x9d: {  	_ =	strace s7  }
0x9e: {  	s7 =	sld [smem:$0x3FFD];
	_ =	sdelay $0x3  }
0x9f: {  	_ =	strace s7  }
0xa0: {  	_ =	strace $0x8FFFFFFF  }
0xa1: {  	s18 =	sld [smem:$0x3FDB];
	_ =	sdelay $0x1  }
0xa2: {  	s19 =	simm.s32 $_scs_section_size  }
0xa3: {  	s9 =	simm.s32 $_size__tile_overlayer_lowered;
	s10 =	simm.s32 $_tile_overlayer_lowered  }
0xa4: {  	s22 =	simm.s32 $0x1BFF;
	s21 =	sshll.u32 s10, $0x1;
	s7 =	sadd.s32 s19, s18  }
0xa5: {  	s11 =	simm.s32 $0x0;
	s20 =	sshll.u32 s9, $0x1;
	s9 =	sadd.s32 s21, s7  }
0xa6: {  	[timem:s11], [sflag:s22] =	dma.local [hbm:s9], s20  }
0xa7: {  	_ =	swait.ge [sflag:s22], s20  }
0xa8: {  	s8 =	ssub.s32 $0x0, s20;
	[sflag:s22] =	ssyncset.done $0x0  }
0xa9: {  	[sflag:s22] =	ssyncadd.s32 s8;
	_ =	sdelay $0x1  }
0xaa: {  	s23 =	simm.s32 $0x1B8B  }
0xab: {  	_ =	swait.ge [sflag:s23], $0x1  }
0xac: {  	[sflag:s23] =	ssyncset.done $0x0  }
0xad: {  	s25 =	simm.s32 $0x1B8E;
	s24 =	sld [smem:$0x3FFE];
	[sflag:s23] =	ssyncadd.s32 $0xFFFFFFFF  }
0xae: {  	s26 =	simm.s32 $execute0_lowered;
	[smem:$0x3FD2] =	sst s25  }
0xaf: {  	s9 =	sshll.u32 s26, $0x1;
	_ =	strace $0x80000046;
	[dreg:$0x1] =	wrdreg $0xFFFFFFFF  }
0xb0: {  	s28 =	simm.s32 $_size_execute0_lowered;
	s7 =	sadd.s32 s7, s9;
	[dreg:$0x0] =	wrdreg $0x0  }
0xb1: {  	s9 =	sshll.u32 s28, $0x1;
	[dreg:$0x2] =	wrdreg s7  }
0xb2: {  	[dreg:$0x3] =	wrdreg s9  }
0xb3: {  	[dreg:$0x4] =	wrdreg $0xC0  }
0xb4: {  	_ =	task [dreg:s11], $0x5FFFF  }
0xb5: {  	[dreg:$0x1] =	wrdreg $0xFFFFFFFF  }
0xb6: {  	[dreg:$0x0] =	wrdreg $0x60  }
0xb7: {  	[dreg:$0x2] =	wrdreg s24  }
0xb8: {  	[dreg:$0x3] =	wrdreg s2  }
0xb9: {  	[dreg:$0x4] =	wrdreg s6  }
0xba: {  	[dreg:$0x5] =	wrdreg s4  }
0xbb: {  	[dreg:$0x6] =	wrdreg s5  }
0xbc: {  	[dreg:$0x7] =	wrdreg s16  }
0xbd: {  	[dreg:$0x8] =	wrdreg $0x9  }
0xbe: {  	_ =	task.clear_ibuf [dreg:s11], $0x9FFFF;
	_ =	strace $0x90000046  }
0xbf: {  	s29 =	simm.s32 $0x9;
	_ =	strace $0x80000048  }
0xc0: {  	_ =	swait.ge [sflag:s29], $0x1  }
0xc1: {  	[sflag:s29] =	ssyncadd.s32 $0xFFFFFFFF  }
0xc2: {  	_ =	strace $0x90000048  }
0xc3: {  	_ =	sfence  }
0xc4: {  	s30 =	sld [smem:$0x0];
	_ =	sdelay $0x2  }
0xc5: {  	s31 =	sshll.u32 s1, $0xD;
	s1 =	sshrl.u32 s1, $0x2  }
0xc6: {  	s3 =	sand.u32 $0x4000, s31;
	s1 =	sadd.s32 s1, s30  }
0xc7: {  	s0 =	sor.u32 s3, s0;
	s1 =	sshll.u32 s1, $0x11  }
0xc8: {  	s0 =	sor.u32 s1, s0  }
0xc9: {  	s0 =	sadd.s32 $0x8F2B, s0  }
0xca: {  	[sflag:s0] =	ssyncadd.remote.s32 $0x1  }
0xcb: {  	_ =	sfence.sel $0xFFFF  }
0xcc: {  	[dreg:$0x0] =	wrdreg $0xFFFFFFFF;
	(pc) =	sbr.abs _section_cstart, $3  }
0xcd: {  	[dreg:$0x1] =	wrdreg $0xFFFFFFFF  }
0xce: {  	_ =	task.clear_ibuf [dreg:s11], $0x2FFFF;
	_ =	strace $0x9FFFFFFF  }
0xcf: {  	(tm) =	ssettm $0x7FFFFFFF  }
tec
execute0_lowered:
.L_overlay_start_1:
0x0: {  	(tag) =	ssettag $0x1  }
0x1: {  	s0 =	rddreg [dreg:$0x0]  }
0x2: {  	s1 =	rddreg [dreg:$0x1]  }
0x3: {  	s3 =	simm.s32 $0x0;
	s2 =	srdreg.scid;
	s4 =	stileid.u32  }
0x4: {  	s15 =	simm.s32 $0x2;
	s18 =	simm.s32 $0x8080;
	s30 =	simm.s32 $0xD880  }
0x5: {  	s31 =	simm.s32 $0xE080;
	s7 =	simm.s32 $0xF080;
	s5 =	simm.s32 $0x0  }
0x6: {  	s29 =	simm.s32 $0x0;
	s14 =	simm.s32 $0x0;
	[smem:$0x7FF] =	sst s3  }
0x7: {  	s2 =	sand.u32 $0x1, s2;
	s8 =	sadd.s32 $0x600, s0;
	s28 =	sshll.u32 s4, $0x8  }
0x8: {  	s10 =	sadd.s32 $0x100, s1;
	s11 =	sadd.s32 $0x200, s1;
	s25 =	ssub.s32 $0x2, s2  }
0x9: {  	s12 =	sadd.s32 $0x300, s1;
	s2 =	sshll.u32 s2, $0x7;
	s26 =	sshrl.u32 s25, $0x1  }
0xa: {  	v2 =	vlaneseq.u32;
	s3 =	simm.s32 $0xF880;
	s2 =	sor.u32 s2, s28;
	s0 =	ssub.s32 s25, s26  }
0xb: {  	vm0 =	vmmov $0xffff;
	v1 =	vshrl.u32 v2, $0x3;
	_ =	strace $0x80000047;
	[dreg:$0x7] =	wrdreg s2;
	s0 =	smax.u32 s0, $0x1  }
0xc: {  	v0 =	vand.u32 $0x7, v2;
	v2 =	vor.u32 $0x8, v2;
	s4 =	simm.s32 $0x1;
	v1 =	vmul.u32 $0x8, v1;
	[dreg:$0x8] =	wrdreg s0;
	s0 =	simm.s32 $0xE880  }
.LBB2_1:
0xd: {  	[dreg:$0x9] =	wrdreg s5  }
0xe: {  	s2 =	rddreg [dreg:$0x3];
	s25 =	simm.s32 $0x0;
	s6 =	simm.s32 $0x10080  }
0xf: {  	[tilespmem:s6], [sflag:$0x2] =	stream.linear.gather [hbm4b:s2+s25], $0x400, $0x38;
	[tilespmem:$0x10880] =	vst v63  }
0x10: {  	_ =	swait.ge [sflag:s15], $0x400  }
0x11: {  	[sflag:s15] =	ssyncset.done $0x0  }
0x12: {  	[sflag:s15] =	ssyncadd.s32 $0xFFFFFC00  }
0x13: {  	s28 =	simm.s32 $0x10480;
	s26 =	rddreg [dreg:$0x4]  }
0x14: {  	[tilespmem:s28], [sflag:$0x2] =	stream.linear.gather [hbm4b:s26+s25], $0x400, $0x38;
	[tilespmem:$0x10880] =	vst v63  }
0x15: {  	_ =	swait.ge [sflag:s15], $0x400  }
0x16: {  	[sflag:s15] =	ssyncset.done $0x0  }
0x17: {  	s2 =	simm.s32 $0x0;
	[sflag:s15] =	ssyncadd.s32 $0xFFFFFC00  }
.LBB2_2:
0x18: {  	s25 =	sshll.u32 s2, $0x5;
	s5 =	rddreg [dreg:$0x7]  }
0x19: {  	[dreg:$0xa] =	wrdreg s2;
	s13 =	sadd.s32 s5, s25  }
0x1a: {  	s26 =	rddreg [dreg:$0x2];
	s2 =	sshll.u32 s13, $0x7  }
0x1b: {  	s28 =	simm.s32 $0x80;
	s2 =	sadd.s32 s26, s2  }
0x1c: {  	[tilespmem:s28], [sflag:$0x2] =	stream.linear.gather [hbm4b:s2+s14], $0x8000, $0x38;
	[tilespmem:$0x10880] =	vst v63  }
0x1d: {  	_ =	swait.ge [sflag:s15], $0x8000  }
0x1e: {  	[sflag:s15] =	ssyncset.done $0x0  }
0x1f: {  	s2 =	simm.s32 $0x0;
	[sflag:s15] =	ssyncadd.s32 $0xFFFF8000  }
.LBB2_3:
0x20: {  	s5 =	sshll.u32 s2, $0xC  }
0x21: {  	s17 =	sadd.s32 s13, s5  }
0x22: {  	s5 =	sshrl.u32 s17, $0x3  }
0x23: {  	s5 =	sadd.s32 s8, s5  }
0x24: {  	[tilespmem:s14], [sflag:$0x2] =	stream.linear.gather [hbm4b:s5+s14], $0x20, $0x38;
	[tilespmem:$0x10880] =	vst v63  }
0x25: {  	_ =	swait.ge [sflag:s15], $0x20  }
0x26: {  	[sflag:s15] =	ssyncset.done $0x0  }
0x27: {  	[sflag:s15] =	ssyncadd.s32 $0xFFFFFFE0  }
0x28: {  	v3 =	vld [tilespmem:$0x0];
	_ =	sdelay $0x4  }
0x29: {  	v4 =	vshll.u32 v3, $0x3  }
0x2a: {  	v3 =	vand.u32 $0x7, v3;
	v4 =	vand.u32 $0xFFFFFFC0, v4  }
0x2b: {  	v3 =	vor.u32 v3, v4  }
0x2c: {  	v4 =	vperm.xlane v3, v0;
	_ =	sdelay $0x1  }
0x2d: {  	v4 =	vadd.s32 v1, v4;
	_ =	sdelay $0x4  }
0x2e: {  	[tilespmem:s18], [sflag:$0x1] =	stream.indirect_vreg.gather [hbm4b:s1+s14], $0x80, v4, vm0, $0xb8;
	[tilespmem:$0x10880] =	vst v63  }
0x2f: {  	s16 =	simm.s32 $0x8880;
	v3 =	vperm.xlane v3, v2  }
0x30: {  	[tilespmem:s16], [sflag:$0x1] =	stream.indirect_vreg.gather [hbm4b:s10+s14], $0x80, v4, vm0, $0xb8;
	[tilespmem:$0x10880] =	vst v63  }
0x31: {  	s19 =	simm.s32 $0x9080;
	v3 =	vadd.s32 v1, v3  }
0x32: {  	[tilespmem:s19], [sflag:$0x1] =	stream.indirect_vreg.gather [hbm4b:s11+s14], $0x80, v4, vm0, $0xb8;
	[tilespmem:$0x10880] =	vst v63  }
0x33: {  	s20 =	simm.s32 $0x9880  }
0x34: {  	[tilespmem:s20], [sflag:$0x1] =	stream.indirect_vreg.gather [hbm4b:s12+s14], $0x80, v4, vm0, $0xb8;
	[tilespmem:$0x10880] =	vst v63  }
0x35: {  	s21 =	simm.s32 $0xA080  }
0x36: {  	[tilespmem:s21], [sflag:$0x1] =	stream.indirect_vreg.gather [hbm4b:s1+s14], $0x80, v3, vm0, $0xb8;
	[tilespmem:$0x10880] =	vst v63  }
0x37: {  	s22 =	simm.s32 $0xA880  }
0x38: {  	[tilespmem:s22], [sflag:$0x1] =	stream.indirect_vreg.gather [hbm4b:s10+s14], $0x80, v3, vm0, $0xb8;
	[tilespmem:$0x10880] =	vst v63  }
0x39: {  	s23 =	simm.s32 $0xB080  }
0x3a: {  	[tilespmem:s23], [sflag:$0x1] =	stream.indirect_vreg.gather [hbm4b:s11+s14], $0x80, v3, vm0, $0xb8;
	[tilespmem:$0x10880] =	vst v63  }
0x3b: {  	s24 =	simm.s32 $0xB880  }
0x3c: {  	[tilespmem:s24], [sflag:$0x1] =	stream.indirect_vreg.gather [hbm4b:s12+s14], $0x80, v3, vm0, $0xb8;
	[tilespmem:$0x10880] =	vst v63  }
0x3d: {  	v3 =	vld [tilespmem:$0x10];
	_ =	sdelay $0x4  }
0x3e: {  	v63 =	vshll.u32 v3, $0x3  }
0x3f: {  	v3 =	vand.u32 $0x7, v3;
	v4 =	vand.u32 $0xFFFFFFC0, v63  }
0x40: {  	v3 =	vor.u32 v3, v4  }
0x41: {  	v4 =	vperm.xlane v3, v0;
	_ =	sdelay $0x1  }
0x42: {  	v4 =	vadd.s32 v1, v4;
	_ =	sdelay $0x3  }
0x43: {  	s25 =	simm.s32 $0xC080  }
0x44: {  	[tilespmem:s25], [sflag:$0x1] =	stream.indirect_vreg.gather [hbm4b:s1+s14], $0x80, v4, vm0, $0xb8;
	[tilespmem:$0x10880] =	vst v63  }
0x45: {  	s26 =	simm.s32 $0xC880;
	v3 =	vperm.xlane v3, v2  }
0x46: {  	[tilespmem:s26], [sflag:$0x1] =	stream.indirect_vreg.gather [hbm4b:s10+s14], $0x80, v4, vm0, $0xb8;
	[tilespmem:$0x10880] =	vst v63  }
0x47: {  	s28 =	simm.s32 $0xD080;
	v3 =	vadd.s32 v1, v3  }
0x48: {  	[tilespmem:s28], [sflag:$0x1] =	stream.indirect_vreg.gather [hbm4b:s11+s14], $0x80, v4, vm0, $0xb8;
	[tilespmem:$0x10880] =	vst v63  }
0x49: {  	_ = 	snop  }
0x4a: {  	[tilespmem:s30], [sflag:$0x1] =	stream.indirect_vreg.gather [hbm4b:s12+s14], $0x80, v4, vm0, $0xb8;
	[tilespmem:$0x10880] =	vst v63  }
0x4b: {  	_ = 	snop  }
0x4c: {  	[tilespmem:s31], [sflag:$0x1] =	stream.indirect_vreg.gather [hbm4b:s1+s14], $0x80, v3, vm0, $0xb8;
	[tilespmem:$0x10880] =	vst v63  }
0x4d: {  	_ = 	snop  }
0x4e: {  	[tilespmem:s0], [sflag:$0x1] =	stream.indirect_vreg.gather [hbm4b:s10+s14], $0x80, v3, vm0, $0xb8;
	[tilespmem:$0x10880] =	vst v63  }
0x4f: {  	_ = 	snop  }
0x50: {  	[tilespmem:s7], [sflag:$0x1] =	stream.indirect_vreg.gather [hbm4b:s11+s14], $0x80, v3, vm0, $0xb8;
	[tilespmem:$0x10880] =	vst v63  }
0x51: {  	_ = 	snop  }
0x52: {  	[tilespmem:s3], [sflag:$0x1] =	stream.indirect_vreg.gather [hbm4b:s12+s14], $0x80, v3, vm0, $0xb8;
	[tilespmem:$0x10880] =	vst v63  }
0x53: {  	_ =	swait.ge [sflag:s4], $0x8000  }
0x54: {  	[sflag:s4] =	ssyncset.done $0x0  }
0x55: {  	s9 =	simm.s32 $0x0;
	[sflag:s4] =	ssyncadd.s32 $0xFFFF8000  }
.LBB2_4:
0x56: {  	s5 =	sshll.u32 s9, $0xA  }
0x57: {  	s25 =	sshll.u32 s9, $0x7;
	s6 =	simm.s32 $0x0;
	s16 =	sand.u32 $0x6000, s5  }
0x58: {  	s5 =	sand.u32 $0x380, s25;
	s20 =	sand.u32 $0x40, s6;
	s6 =	sand.u32 $0x1C00, s6  }
0x59: {  	s19 =	sor.u32 s5, s16;
	s6 =	sor.u32 s6, s20  }
0x5a: {  	s20 =	sor.u32 s19, s6  }
0x5b: {  	v3 =	vld [tilespmem:s20+$0x90]  }
0x5c: {  	v4 =	vld [tilespmem:s20+$0x8090]  }
0x5d: {  	v5 =	vld [tilespmem:s20+$0x80]  }
0x5e: {  	v6 =	vld [tilespmem:s20+$0x8080]  }
0x5f: {  	v7 =	vld [tilespmem:s20+$0x80B0]  }
0x60: {  	v8 =	vld [tilespmem:s20+$0x80A0]  }
0x61: {  	s26 =	simm.s32 $0x40;
	s21 =	simm.s32 $0x200;
	v9 =	vld [tilespmem:s20+$0xB0]  }
0x62: {  	s21 =	sand.u32 $0x1C00, s21;
	s6 =	sand.u32 $0x40, s26;
	v11 =	vld [tilespmem:s20+$0xA0];
	v4 =	vmul.f32 $3.200000000e+01, v4  }
0x63: {  	s6 =	sor.u32 s21, s6;
	v6 =	vmul.f32 $3.200000000e+01, v6  }
0x64: {  	s6 =	sor.u32 s19, s6;
	v7 =	vmul.f32 $3.200000000e+01, v7;
	v12 =	vadd.f32 v3, v4  }
0x65: {  	v13 =	vmul.f32 $3.200000000e+01, v8;
	v4 =	vld [tilespmem:s6+$0x90];
	v6 =	vadd.f32 v5, v6  }
0x66: {  	v3 =	vld [tilespmem:s6+$0x80];
	v5 =	vadd.f32 v9, v7;
	v7 =	vimm.f32 $0.0e+00;
	[tilespmem:s20+$0x8090] =	vst v12  }
0x67: {  	v13 =	vadd.f32 v11, v13;
	v9 =	vadd.f32 v6, v7;
	v14 =	vmul.f32 v6, v6;
	v10 =	vld [tilespmem:s6+$0x8090];
	[tilespmem:s20+$0x8080] =	vst v6  }
0x68: {  	v8 =	vld [tilespmem:s6+$0x8080];
	[tilespmem:s20+$0x80B0] =	vst v5  }
0x69: {  	v11 =	vadd.f32 v14, v7;
	v14 =	vadd.f32 v12, v9;
	v12 =	vmul.f32 v12, v12;
	v6 =	vld [tilespmem:s6+$0x80B0];
	[tilespmem:s20+$0x80A0] =	vst v13  }
0x6a: {  	s28 =	simm.s32 $0x80;
	v9 =	vld [tilespmem:s6+$0x80A0]  }
0x6b: {  	s22 =	simm.s32 $0xC0;
	s21 =	simm.s32 $0x400;
	s20 =	sand.u32 $0x40, s28;
	v7 =	vld [tilespmem:s6+$0xB0];
	v12 =	vadd.f32 v12, v11;
	v11 =	vadd.f32 v13, v14;
	v13 =	vmul.f32 v13, v13  }
.LBB2_5:
0x6c: {  	s25 =	smov.u32 s22  }
0x6d: {  	s23 =	sand.u32 $0x40, s22;
	s24 =	sand.u32 $0x1C00, s21;
	v10 =	vmul.f32 $3.200000000e+01, v10;
	v14 =	vld [tilespmem:s6+$0xA0];
	v15 =	vmul.f32 v5, v5;
	s25 =	sadd.s32 $0x40, s22  }
0x6e: {  	p0 =	sne.s32 s22, $0x3C0;
	s22 =	sor.u32 s24, s20;
	v8 =	vmul.f32 $3.200000000e+01, v8;
	v12 =	vadd.f32 v13, v12;
	v11 =	vadd.f32 v5, v11;
	s20 =	smov.u32 s23  }
0x6f: {  	s22 =	sor.u32 s19, s22;
	v13 =	vadd.f32 v4, v10;
	v5 =	vmul.f32 $3.200000000e+01, v6  }
0x70: {  	v6 =	vadd.f32 v3, v8;
	v8 =	vmul.f32 $3.200000000e+01, v9;
	v9 =	vadd.f32 v15, v12;
	v4 =	vld [tilespmem:s22+$0x90]  }
0x71: {  	v5 =	vadd.f32 v7, v5;
	v3 =	vld [tilespmem:s22+$0x80];
	[tilespmem:s6+$0x8090] =	vst v13  }
.Ltmp0:
0x72: {  	v7 =	vadd.f32 v6, v11;
	v11 =	vmul.f32 v6, v6;
	v14 =	vadd.f32 v14, v8;
	v10 =	vld [tilespmem:s22+$0x8090];
	[tilespmem:s6+$0x8080] =	vst v6;
	(pc) =	sbr.rel @p0 .LBB2_5-.Ltmp0, $4  }
0x73: {  	v8 =	vld [tilespmem:s22+$0x8080];
	[tilespmem:s6+$0x80B0] =	vst v5  }
0x74: {  	v12 =	vmul.f32 v13, v13;
	v11 =	vadd.f32 v11, v9;
	v15 =	vadd.f32 v13, v7;
	v6 =	vld [tilespmem:s22+$0x80B0];
	[tilespmem:s6+$0x80A0] =	vst v14;
	s6 =	smov.u32 s22  }
0x75: {  	v9 =	vld [tilespmem:s6+$0x80A0]  }
0x76: {  	s21 =	sadd.s32 $0x200, s21;
	v13 =	vmul.f32 v14, v14;
	s22 =	smov.u32 s25;
	v12 =	vadd.f32 v12, v11;
	v11 =	vadd.f32 v14, v15;
	v7 =	vld [tilespmem:s6+$0xB0]  }
0x77: {  	s21 =	sand.u32 $0x1C00, s21;
	v10 =	vmul.f32 $3.200000000e+01, v10  }
0x78: {  	s20 =	sor.u32 s21, s20;
	v8 =	vmul.f32 $3.200000000e+01, v8  }
0x79: {  	v14 =	vld [tilespmem:s6+$0xA0];
	s19 =	sor.u32 s19, s20;
	v4 =	vadd.f32 v4, v10  }
0x7a: {  	v47 =	vld [tilespmem:s19+$0x90];
	v3 =	vadd.f32 v3, v8  }
0x7b: {  	v6 =	vmul.f32 $3.200000000e+01, v6;
	v15 =	vld [tilespmem:s19+$0x80];
	[tilespmem:s6+$0x8090] =	vst v4  }
0x7c: {  	v50 =	vmul.f32 v5, v5;
	v48 =	vadd.f32 v13, v12;
	v9 =	vmul.f32 $3.200000000e+01, v9;
	v49 =	vld [tilespmem:s19+$0x8090];
	[tilespmem:s6+$0x8080] =	vst v3  }
0x7d: {  	v5 =	vadd.f32 v5, v11;
	v6 =	vadd.f32 v7, v6;
	v7 =	vld [tilespmem:s19+$0x8080]  }
0x7e: {  	v8 =	vadd.f32 v50, v48;
	v51 =	vmul.f32 v3, v3;
	v9 =	vadd.f32 v14, v9  }
0x7f: {  	v3 =	vadd.f32 v3, v5;
	[tilespmem:s6+$0x80B0] =	vst v6  }
0x80: {  	v52 =	vmul.f32 v4, v4;
	v5 =	vld [tilespmem:s19+$0x80B0];
	v8 =	vadd.f32 v51, v8;
	[tilespmem:s6+$0x80A0] =	vst v9  }
0x81: {  	v3 =	vadd.f32 v4, v3;
	v4 =	vld [tilespmem:s19+$0x80A0]  }
0x82: {  	v53 =	vmul.f32 v9, v9;
	v8 =	vadd.f32 v52, v8;
	v7 =	vmul.f32 $3.200000000e+01, v7  }
0x83: {  	v55 =	vld [tilespmem:s19+$0xA0];
	v3 =	vadd.f32 v9, v3;
	v54 =	vmul.f32 $3.200000000e+01, v49  }
0x84: {  	v56 =	vmul.f32 v6, v6;
	v8 =	vadd.f32 v53, v8;
	v7 =	vadd.f32 v15, v7  }
0x85: {  	v57 =	vld [tilespmem:s19+$0xB0];
	v3 =	vadd.f32 v6, v3;
	v6 =	vadd.f32 v47, v54  }
0x86: {  	v4 =	vmul.f32 $3.200000000e+01, v4;
	v8 =	vadd.f32 v56, v8;
	v58 =	vmul.f32 v7, v7  }
0x87: {  	v5 =	vmul.f32 $3.200000000e+01, v5;
	v3 =	vadd.f32 v7, v3  }
0x88: {  	v59 =	vmul.f32 v6, v6;
	v4 =	vadd.f32 v55, v4;
	v8 =	vadd.f32 v58, v8  }
0x89: {  	v3 =	vadd.f32 v6, v3  }
0x8a: {  	v5 =	vadd.f32 v57, v5;
	v60 =	vmul.f32 v4, v4;
	v8 =	vadd.f32 v59, v8  }
0x8b: {  	v3 =	vadd.f32 v4, v3  }
0x8c: {  	v61 =	vmul.f32 v5, v5;
	v8 =	vadd.f32 v60, v8  }
0x8d: {  	v3 =	vadd.f32 v5, v3  }
0x8e: {  	v8 =	vadd.f32 v61, v8  }
0x8f: {  	(xrf2) =	vadd.scan.msk.f32 $0xffff, v3  }
0x90: {  	(xrf2) =	vadd.scan.msk.f32 $0xffff, v8;
	_ =	sdelay $0x8  }
0x91: {  	v3, _, _ =	vpop (xrf2)  }
0x92: {  	(v2sf) =	vpush v3, $0xF;
	v3, _, _ =	vpop (xrf2)  }
0x93: {  	(v2sf) =	vpush v3, $0xF;
	_ =	sdelay $0xd  }
0x94: {  	s21 =	spop (v2sf)  }
0x95: {  	s6 =	smul.f32 $9.765625000e-04, s21;
	s22 =	spop (v2sf)  }
0x96: {  	s20 =	smul.f32 $9.765625000e-04, s22  }
0x97: {  	s23 =	smul.f32 s6, s6;
	_ =	sdelay $0x1  }
0x98: {  	s20 =	ssub.f32 s20, s23;
	_ =	sdelay $0x1  }
0x99: {  	s20 =	sadd.f32 $9.999999740e-06, s20;
	_ =	sdelay $0x1  }
0x9a: {  	v3 =	vmov s20  }
0x9b: {  	v62 =	vshra.s32 v3, $0x1;
	v3 =	vmul.f32 $5.000000000e-01, v3  }
0x9c: {  	v8 =	vsub.s32 $0x5F3759DF, v62  }
0x9d: {  	v63 =	vmul.f32 v8, v3;
	_ =	sdelay $0x1  }
0x9e: {  	v9 =	vmul.f32 v8, v63;
	_ =	sdelay $0x1  }
0x9f: {  	v9 =	vsub.f32 $1.500000000e+00, v9;
	_ =	sdelay $0x1  }
0xa0: {  	v8 =	vmul.f32 v8, v9;
	_ =	sdelay $0x1  }
0xa1: {  	v9 =	vmul.f32 v8, v3;
	_ =	sdelay $0x1  }
0xa2: {  	v9 =	vmul.f32 v9, v8;
	_ =	sdelay $0x1  }
0xa3: {  	s20 =	simm.s32 $0x0;
	v9 =	vsub.f32 $1.500000000e+00, v9  }
0xa4: {  	s5 =	sadd.s32 s5, s16;
	[tilespmem:s19+$0x8090] =	vst v6;
	s24 =	sand.u32 $0x7000, s20  }
0xa5: {  	s5 =	sadd.s32 $0x8080, s5;
	[tilespmem:s19+$0x8080] =	vst v7;
	s16 =	sshrl.u32 s24, $0x2;
	v6 =	vmul.f32 v9, v8  }
0xa6: {  	[tilespmem:s19+$0x80B0] =	vst v5;
	s21 =	sand.u32 $0x40, s20;
	s22 =	sadd.s32 s16, s5  }
0xa7: {  	[tilespmem:s19+$0x80A0] =	vst v4;
	s25 =	sadd.s32 s21, s22;
	v3 =	vmul.f32 v6, v3  }
0xa8: {  	v5 =	vld [tilespmem:s25+$0x0]  }
0xa9: {  	v3 =	vmul.f32 v3, v6;
	_ =	sdelay $0x1  }
0xaa: {  	s16 =	simm.s32 $0x10080;
	v3 =	vsub.f32 $1.500000000e+00, v3  }
0xab: {  	v4 =	vmov s6;
	v7 =	vld [tilespmem:s16+$0x0]  }
0xac: {  	s26 =	simm.s32 $0x10480;
	v5 =	vsub.f32 v5, v4;
	v3 =	vmul.f32 v3, v6  }
0xad: {  	v6 =	vld [tilespmem:s26+$0x0]  }
0xae: {  	v5 =	vmul.f32 v5, v3;
	_ =	sdelay $0x1  }
0xaf: {  	v5 =	vmul.f32 v5, v7;
	_ =	sdelay $0x1  }
0xb0: {  	v5 =	vadd.f32 v5, v6  }
0xb1: {  	s28 =	sor.u32 $0x10, s21  }
0xb2: {  	s23 =	sadd.s32 s28, s22;
	[tilespmem:s25+$0x0] =	vst v5  }
0xb3: {  	v5 =	vld [tilespmem:s23+$0x0];
	_ =	sdelay $0x1  }
0xb4: {  	s20 =	sand.u32 $0x380, s20  }
0xb5: {  	s6 =	sor.u32 s20, s28  }
0xb6: {  	v6 =	vld [tilespmem:s6+$0x10080]  }
0xb7: {  	v5 =	vsub.f32 v5, v4  }
0xb8: {  	v7 =	vld [tilespmem:s6+$0x10480]  }
0xb9: {  	v5 =	vmul.f32 v5, v3;
	_ =	sdelay $0x1  }
0xba: {  	v5 =	vmul.f32 v5, v6;
	_ =	sdelay $0x1  }
0xbb: {  	v5 =	vadd.f32 v5, v7  }
0xbc: {  	s24 =	sor.u32 $0x20, s21  }
0xbd: {  	s25 =	sadd.s32 s24, s22;
	[tilespmem:s23+$0x0] =	vst v5  }
0xbe: {  	v5 =	vld [tilespmem:s25+$0x0];
	_ =	sdelay $0x2  }
0xbf: {  	s6 =	sor.u32 s20, s24  }
0xc0: {  	v6 =	vld [tilespmem:s6+$0x10080]  }
0xc1: {  	v5 =	vsub.f32 v5, v4  }
0xc2: {  	v7 =	vld [tilespmem:s6+$0x10480]  }
0xc3: {  	v5 =	vmul.f32 v5, v3;
	_ =	sdelay $0x1  }
0xc4: {  	v5 =	vmul.f32 v5, v6;
	_ =	sdelay $0x1  }
0xc5: {  	v5 =	vadd.f32 v5, v7  }
0xc6: {  	s26 =	sor.u32 $0x30, s21  }
0xc7: {  	s24 =	sadd.s32 s26, s22;
	[tilespmem:s25+$0x0] =	vst v5  }
0xc8: {  	v5 =	vld [tilespmem:s24+$0x0];
	_ =	sdelay $0x2  }
0xc9: {  	s6 =	sor.u32 s20, s26  }
0xca: {  	v6 =	vld [tilespmem:s6+$0x10080]  }
0xcb: {  	v5 =	vsub.f32 v5, v4  }
0xcc: {  	v7 =	vld [tilespmem:s6+$0x10480]  }
0xcd: {  	v5 =	vmul.f32 v5, v3  }
0xce: {  	s20 =	simm.s32 $0x800  }
0xcf: {  	s28 =	sand.u32 $0x7000, s20;
	v5 =	vmul.f32 v5, v6  }
0xd0: {  	s22 =	simm.s32 $0x104C0;
	s19 =	sshrl.u32 s28, $0x2;
	s6 =	simm.s32 $0x40  }
0xd1: {  	s23 =	simm.s32 $0x80;
	s19 =	sadd.s32 s19, s5;
	s21 =	sand.u32 $0x40, s6;
	v5 =	vadd.f32 v5, v7  }
.LBB2_7:
0xd2: {  	s26 =	sadd.s32 s21, s19  }
0xd3: {  	[tilespmem:s24+$0x0] =	vst v5;
	s16 =	sadd.s32 $0x40, s16;
	s24 =	smov.u32 s23;
	s25 =	sadd.s32 $0x40, s23  }
0xd4: {  	p0 =	sne.s32 s23, $0x3C0;
	v5 =	vld [tilespmem:s26+$0x0];
	_ =	sdelay $0x3  }
0xd5: {  	v6 =	vld [tilespmem:s16+$0x0]  }
0xd6: {  	v5 =	vsub.f32 v5, v4  }
0xd7: {  	v7 =	vld [tilespmem:s22+$0x0]  }
0xd8: {  	v5 =	vmul.f32 v5, v3;
	_ =	sdelay $0x1  }
0xd9: {  	v5 =	vmul.f32 v5, v6;
	_ =	sdelay $0x1  }
0xda: {  	v5 =	vadd.f32 v5, v7  }
0xdb: {  	s23 =	sor.u32 $0x10, s21  }
0xdc: {  	[tilespmem:s26+$0x0] =	vst v5;
	s26 =	sadd.s32 s23, s19  }
0xdd: {  	v5 =	vld [tilespmem:s26+$0x0];
	_ =	sdelay $0x1  }
0xde: {  	s28 =	sand.u32 $0x380, s6;
	s6 =	smov.u32 s24  }
0xdf: {  	s23 =	sor.u32 s28, s23  }
0xe0: {  	v6 =	vld [tilespmem:s23+$0x10080]  }
0xe1: {  	v5 =	vsub.f32 v5, v4  }
0xe2: {  	v7 =	vld [tilespmem:s23+$0x10480]  }
0xe3: {  	v5 =	vmul.f32 v5, v3;
	_ =	sdelay $0x1  }
0xe4: {  	v5 =	vmul.f32 v5, v6;
	_ =	sdelay $0x1  }
0xe5: {  	v5 =	vadd.f32 v5, v7  }
0xe6: {  	s23 =	sor.u32 $0x20, s21  }
0xe7: {  	s24 =	sadd.s32 s23, s19;
	[tilespmem:s26+$0x0] =	vst v5  }
0xe8: {  	v5 =	vld [tilespmem:s24+$0x0];
	_ =	sdelay $0x2  }
0xe9: {  	s23 =	sor.u32 s28, s23  }
0xea: {  	v6 =	vld [tilespmem:s23+$0x10080]  }
0xeb: {  	v5 =	vsub.f32 v5, v4  }
0xec: {  	v7 =	vld [tilespmem:s23+$0x10480]  }
0xed: {  	v5 =	vmul.f32 v5, v3;
	_ =	sdelay $0x1  }
0xee: {  	v5 =	vmul.f32 v5, v6;
	_ =	sdelay $0x1  }
0xef: {  	v5 =	vadd.f32 v5, v7  }
0xf0: {  	s21 =	sor.u32 $0x30, s21  }
0xf1: {  	[tilespmem:s24+$0x0] =	vst v5;
	s24 =	sadd.s32 s21, s19  }
0xf2: {  	s19 =	sor.u32 s28, s21;
	v5 =	vld [tilespmem:s24+$0x0]  }
0xf3: {  	v6 =	vld [tilespmem:s19+$0x10080]  }
0xf4: {  	v7 =	vld [tilespmem:s19+$0x10480];
	_ =	sdelay $0x2  }
0xf5: {  	v5 =	vsub.f32 v5, v4;
	_ =	sdelay $0x1  }
0xf6: {  	v5 =	vmul.f32 v5, v3  }
.Ltmp1:
0xf7: {  	(pc) =	sbr.rel @p0 .LBB2_7-.Ltmp1, $4  }
0xf8: {  	s20 =	sadd.s32 $0x800, s20;
	v5 =	vmul.f32 v5, v6  }
0xf9: {  	s19 =	sand.u32 $0x7000, s20  }
0xfa: {  	s22 =	sadd.s32 $0x40, s22;
	s19 =	sshrl.u32 s19, $0x2;
	v5 =	vadd.f32 v5, v7  }
0xfb: {  	s23 =	smov.u32 s25;
	s21 =	sand.u32 $0x40, s6;
	s19 =	sadd.s32 s19, s5  }
0xfc: {  	s5 =	sadd.s32 s21, s19;
	[tilespmem:s24+$0x0] =	vst v5  }
0xfd: {  	v5 =	vld [tilespmem:s5+$0x0];
	_ =	sdelay $0x2  }
0xfe: {  	s16 =	sadd.s32 $0x40, s16  }
0xff: {  	v6 =	vld [tilespmem:s16+$0x0]  }
0x100: {  	v5 =	vsub.f32 v5, v4  }
0x101: {  	v7 =	vld [tilespmem:s22+$0x0]  }
0x102: {  	v5 =	vmul.f32 v5, v3;
	_ =	sdelay $0x1  }
0x103: {  	v5 =	vmul.f32 v5, v6;
	_ =	sdelay $0x1  }
0x104: {  	v5 =	vadd.f32 v5, v7  }
0x105: {  	s22 =	sor.u32 $0x10, s21  }
0x106: {  	s23 =	sadd.s32 s22, s19;
	[tilespmem:s5+$0x0] =	vst v5  }
0x107: {  	v5 =	vld [tilespmem:s23+$0x0];
	_ =	sdelay $0x1  }
0x108: {  	s6 =	sand.u32 $0x380, s6  }
0x109: {  	s16 =	sor.u32 s6, s22  }
0x10a: {  	v57 =	vld [tilespmem:s16+$0x10080]  }
0x10b: {  	v5 =	vsub.f32 v5, v4  }
0x10c: {  	v58 =	vld [tilespmem:s16+$0x10480]  }
0x10d: {  	v5 =	vmul.f32 v5, v3;
	_ =	sdelay $0x1  }
0x10e: {  	v5 =	vmul.f32 v5, v57;
	_ =	sdelay $0x1  }
0x10f: {  	v5 =	vadd.f32 v5, v58  }
0x110: {  	s24 =	sor.u32 $0x20, s21  }
0x111: {  	s25 =	sadd.s32 s24, s19;
	[tilespmem:s23+$0x0] =	vst v5  }
0x112: {  	v5 =	vld [tilespmem:s25+$0x0];
	_ =	sdelay $0x2  }
0x113: {  	s16 =	sor.u32 s6, s24  }
0x114: {  	v59 =	vld [tilespmem:s16+$0x10080]  }
0x115: {  	v5 =	vsub.f32 v5, v4  }
0x116: {  	v60 =	vld [tilespmem:s16+$0x10480]  }
0x117: {  	v5 =	vmul.f32 v5, v3;
	_ =	sdelay $0x1  }
0x118: {  	v5 =	vmul.f32 v5, v59;
	_ =	sdelay $0x1  }
0x119: {  	v5 =	vadd.f32 v5, v60  }
0x11a: {  	s26 =	sor.u32 $0x30, s21  }
0x11b: {  	s28 =	sadd.s32 s26, s19;
	[tilespmem:s25+$0x0] =	vst v5  }
0x11c: {  	v5 =	vld [tilespmem:s28+$0x0];
	_ =	sdelay $0x2  }
0x11d: {  	s6 =	sor.u32 s6, s26  }
0x11e: {  	v61 =	vld [tilespmem:s6+$0x10080]  }
0x11f: {  	v62 =	vsub.f32 v5, v4  }
0x120: {  	v63 =	vld [tilespmem:s6+$0x10480]  }
0x121: {  	s9 =	sadd.s32 $0x1, s9;
	v3 =	vmul.f32 v62, v3  }
0x122: {  	p0 =	sne.s32 s9, $0x20  }
.Ltmp2:
0x123: {  	v3 =	vmul.f32 v3, v61;
	(pc) =	sbr.rel @p0 .LBB2_4-.Ltmp2, $3  }
0x124: {  	_ = 	snop  }
0x125: {  	v3 =	vadd.f32 v3, v63;
	_ =	sdelay $0x1  }
0x126: {  	[tilespmem:s28+$0x0] =	vst v3  }
0x127: {  	s2 =	sadd.s32 $0x1, s2  }
0x128: {  	s5 =	sshll.u32 s17, $0x7;
	s6 =	rddreg [dreg:$0x5];
	p0 =	sne.s32 s2, $0x4  }
.Ltmp3:
0x129: {  	s5 =	sadd.s32 s6, s5;
	(pc) =	sbr.rel @p0 .LBB2_3-.Ltmp3, $4  }
0x12a: {  	[hbm4b:s5+s29] =	stream.linear.scatter [tilespmem:s18], [sflag:$0x2], $0x8000, $0x38;
	[tilespmem:$0x10880] =	vst v63  }
0x12b: {  	_ =	swait.ge [sflag:s15], $0x8000  }
0x12c: {  	[sflag:s15] =	ssyncset.done $0x0  }
0x12d: {  	[sflag:s15] =	ssyncadd.s32 $0xFFFF8000  }
0x12e: {  	s2 =	rddreg [dreg:$0xa]  }
0x12f: {  	s2 =	sadd.s32 $0x1, s2  }
0x130: {  	p0 =	sne.s32 s2, $0x4  }
.Ltmp4:
0x131: {  	_ = 	snop;
	(pc) =	sbr.rel @p0 .LBB2_2-.Ltmp4, $1  }
0x132: {  	_ =	sdelay $0x3  }
0x133: {  	s5 =	rddreg [dreg:$0x9]  }
0x134: {  	s2 =	rddreg [dreg:$0x8];
	s5 =	sadd.s32 $0x1, s5  }
0x135: {  	p0 =	sne.s32 s5, s2  }
.Ltmp5:
0x136: {  	_ = 	snop;
	(pc) =	sbr.rel @p0 .LBB2_1-.Ltmp5, $1  }
0x137: {  	_ =	sdelay $0x3  }
0x138: {  	_ =	sfence.sel $0x180000  }
0x139: {  	[bflag:$0x0] =	sbarrier.arrive $0xFFFF  }
0x13a: {  	_ =	strace $0x90000047  }
0x13b: {  	s0 =	stileid.u32;
	[bflag:$0x2] =	sbarrier.arrive $0xFFFF  }
0x13c: {  	p0 =	sne.s32 s0, $0x0;
	s0 =	rddreg [dreg:$0x6]  }
0x13d: {  	s0 =	sadd.s32 @!p0 $0x100000, s0  }
0x13e: {  	[sflag:s0] =	ssyncadd.tile.s32 @!p0 $0x1;
	_ =	shalt  }
.Lfunc_end2:
_tile_overlayer_lowered:
.L_overlay_start_2:
0x13f: {  	(tag) =	ssettag $0x2  }
0x140: {  	s0 =	rddreg [dreg:$0x0];
	s2 =	stileid.u32  }
0x141: {  	s1 =	rddreg [dreg:$0x1];
	p0 =	sne.s32 s2, $0x0  }
0x142: {  	s3 =	rddreg [dreg:$0x2];
	[bflag:$0x3] =	sbarrier.arrive $0xFFFF;
	s2 =	simm.s32 @!p0 $0x1C02  }
0x143: {  	[timem:s3], [sflag:s2] =	dma.local @!p0 [hbm:s0], s1  }
0x144: {  	s0 =	simm.s32 @!p0 $0x2  }
0x145: {  	_ =	swait.ge @!p0 [sflag:s0], s1  }
0x146: {  	s1 =	ssub.s32 @!p0 $0x0, s1;
	[sflag:s0] =	ssyncset.done @!p0 $0x0  }
0x147: {  	[sflag:s0] =	ssyncadd.s32 @!p0 s1  }
0x148: {  	[bflag:$0x3] =	sbarrier.arrive $0xFFFF  }
0x149: {  	_ =	shalt  }

</sc_bundles>
